<compile_context>
chip_gen: v7x
topology: tpu7x:2x2x1
jax: 0.10.2.dev20260603
libtpu: 0.0.44.dev20260713+nightly
codegen_flags: <defaults>
</compile_context>

<pallas_src>
import jax
import jax.numpy as jnp
from jax import lax
from jax.experimental import pallas as pl
from jax.experimental.pallas import tpu as pltpu
from jax.experimental.pallas import tpu_sc as plsc

NUM_CORES = 2
NUM_SUBCORES = 16
LANES = 16
NW = NUM_CORES * NUM_SUBCORES

BATCH = 16384
B_PER_W = BATCH // NW
CHUNK = 128
NCHUNK = B_PER_W // CHUNK
STEPS = B_PER_W // LANES

SCALE = 0.005756462732485115


def _elo_body(i_hbm, j_hbm, r_hbm, out_hbm, idx_i, idx_j, ri, rj, outv, sem):
    wid = lax.axis_index("s") * NUM_CORES + lax.axis_index("c")
    base = wid * B_PER_W

    ci = pltpu.make_async_copy(i_hbm.at[pl.ds(base, B_PER_W)], idx_i, sem)
    cj = pltpu.make_async_copy(j_hbm.at[pl.ds(base, B_PER_W)], idx_j, sem)
    ci.start()
    cj.start()
    ci.wait()
    cj.wait()

    gathers = []
    for r in range(NCHUNK):
        gathers.append(pltpu.make_async_copy(
            r_hbm.at[idx_i.at[pl.ds(r * CHUNK, CHUNK)]],
            ri.at[pl.ds(r * CHUNK, CHUNK)], sem))
        gathers.append(pltpu.make_async_copy(
            r_hbm.at[idx_j.at[pl.ds(r * CHUNK, CHUNK)]],
            rj.at[pl.ds(r * CHUNK, CHUNK)], sem))
    for cp in gathers:
        cp.start()
    for cp in gathers:
        cp.wait()

    def compute(t, _):
        sl = pl.ds(t * LANES, LANES)
        outv[sl] = (ri[sl] - rj[sl]) * SCALE
        return 0

    lax.fori_loop(0, STEPS, compute, 0, unroll=4)

    pltpu.sync_copy(outv, out_hbm.at[pl.ds(base, B_PER_W)])


@jax.jit
def _elo_call(i_idx, j_idx, r_flat):
    mesh = plsc.VectorSubcoreMesh(
        core_axis_name="c", subcore_axis_name="s",
        num_cores=NUM_CORES, num_subcores=NUM_SUBCORES)
    f = pl.kernel(
        _elo_body,
        out_type=jax.ShapeDtypeStruct((BATCH,), jnp.float32),
        mesh=mesh,
        compiler_params=pltpu.CompilerParams(needs_layout_passes=False),
        scratch_types=[
            pltpu.VMEM((B_PER_W,), jnp.int32),
            pltpu.VMEM((B_PER_W,), jnp.int32),
            pltpu.VMEM((B_PER_W,), jnp.float32),
            pltpu.VMEM((B_PER_W,), jnp.float32),
            pltpu.VMEM((B_PER_W,), jnp.float32),
            pltpu.SemaphoreType.DMA,
        ],
    )
    return f(i_idx, j_idx, r_flat)


def kernel(x, R, Theta):
    del Theta
    out = _elo_call(x[:, 0], x[:, 1], R.reshape(-1))
    return out.reshape(BATCH, 1)

# --- scband reference (transcript-rebuilt; emitter-appended) ---
"""Pipeline reference for scband-m-elo-34273839022908 (READ-ONLY COPY).

The authoritative reference and input builder live on the scoring server;
editing this copy changes nothing except your own understanding.
"""

import jax, jax.numpy as jnp
import numpy as np

NUM_MODEL = 1000000
NUM_JUDGE = 100000
BATCH = 16384

def _xavier_uniform(key, shape):
    fan_in, fan_out = shape[0], shape[1]
    bound = float(np.sqrt(6.0 / (fan_in + fan_out)))
    return jax.random.uniform(key, shape, dtype=jnp.float32, minval=-bound, maxval=bound)

def setup_inputs(seed: int = 0) -> dict:
    key = jax.random.key(seed)
    k1, k2, k3 = jax.random.split(key, 3)
    # forward input: pairs (model_a, model_b, judge); forward only uses cols 0 and 1
    x = jax.random.randint(k1, (BATCH, 3), 0, NUM_MODEL, dtype=jnp.int32)
    # learned parameters (embedding tables, xavier-uniform init like the torch module)
    R = _xavier_uniform(k2, (NUM_MODEL, 1))
    Theta = _xavier_uniform(k3, (NUM_JUDGE, 1))
    return {"x": x, "R": R, "Theta": Theta}

def reference(x, R, Theta):
    i = x[:, 0]
    j = x[:, 1]
    R_i = jnp.take(R, i, axis=0)
    R_j = jnp.take(R, j, axis=0)
    p = (jnp.log(jnp.asarray(10.0, dtype=jnp.float32)) / 400.0) * (R_i - R_j)
    return p

if __name__ == "__main__":
    import jax
    _d = setup_inputs()
    print(jax.jit(kernel)(*tuple(_d.values())))

</pallas_src>

<mosaic_0001>
#map = affine_map<(d0, d1) -> (0)>
module attributes {stable_mosaic.version = 14 : i64} {
  func.func @_elo_body(%arg0: i32, %arg1: i32, %arg2: memref<16384xi32, #tpu.memory_space<hbm>>, %arg3: memref<16384xi32, #tpu.memory_space<hbm>>, %arg4: memref<1000000xf32, #tpu.memory_space<hbm>>, %arg5: memref<16384xf32, #tpu.memory_space<hbm>>, %arg6: memref<512xi32, #tpu.memory_space<vmem>>, %arg7: memref<512xi32, #tpu.memory_space<vmem>>, %arg8: memref<512xf32, #tpu.memory_space<vmem>>, %arg9: memref<512xf32, #tpu.memory_space<vmem>>, %arg10: memref<512xf32, #tpu.memory_space<vmem>>, %arg11: memref<!tpu.dma_semaphore, #tpu.memory_space<semaphore_mem>>) attributes {dimension_semantics = [#tpu.dimension_semantics<core_parallel>, #tpu.dimension_semantics<subcore_parallel>], iteration_bounds = array<i64: 2, 16>, scalar_prefetch = 0 : i64, scratch_operands = 6 : i64, tpu.core_type = #tpu.core_type<sc_vector_subcore>, window_params = [{transform_indices = #map}, {transform_indices = #map}, {transform_indices = #map}, {transform_indices = #map}]} {
    %mul3A = arith.constant 2 : i32
    %mul3A_0 = arith.muli %arg1, %mul3A : i32
    %add3A = arith.addi %mul3A_0, %arg0 : i32
    %mul3A_1 = arith.constant 512 : i32
    %mul3A_2 = arith.muli %add3A, %mul3A_1 : i32
    %dma_start3A = tpu.memref_slice %arg2[%mul3A_2] : memref<16384xi32, #tpu.memory_space<hbm>> -> memref<512xi32, #tpu.memory_space<hbm>>
    %dma_start3A_3 = tpu.memref_slice %arg2[%mul3A_2] : memref<16384xi32, #tpu.memory_space<hbm>> -> memref<512xi32, #tpu.memory_space<hbm>>
    tpu.enqueue_dma source(%dma_start3A_3 : memref<512xi32, #tpu.memory_space<hbm>>) target(%arg6 : memref<512xi32, #tpu.memory_space<vmem>>) target_semaphore(%arg11 : memref<!tpu.dma_semaphore, #tpu.memory_space<semaphore_mem>>)
    %dma_start3A_4 = tpu.memref_slice %arg3[%mul3A_2] : memref<16384xi32, #tpu.memory_space<hbm>> -> memref<512xi32, #tpu.memory_space<hbm>>
    %dma_start3A_5 = tpu.memref_slice %arg3[%mul3A_2] : memref<16384xi32, #tpu.memory_space<hbm>> -> memref<512xi32, #tpu.memory_space<hbm>>
    tpu.enqueue_dma source(%dma_start3A_5 : memref<512xi32, #tpu.memory_space<hbm>>) target(%arg7 : memref<512xi32, #tpu.memory_space<vmem>>) target_semaphore(%arg11 : memref<!tpu.dma_semaphore, #tpu.memory_space<semaphore_mem>>)
    %dma_wait3A = tpu.memref_slice %arg2[%mul3A_2] : memref<16384xi32, #tpu.memory_space<hbm>> -> memref<512xi32, #tpu.memory_space<hbm>>
    %dma_wait3A_6 = tpu.memref_slice %arg2[%mul3A_2] : memref<16384xi32, #tpu.memory_space<hbm>> -> memref<512xi32, #tpu.memory_space<hbm>>
    tpu.wait_dma2 semaphore(%arg11 : memref<!tpu.dma_semaphore, #tpu.memory_space<semaphore_mem>>) src(%dma_wait3A_6 : memref<512xi32, #tpu.memory_space<hbm>>) dst(%arg6 : memref<512xi32, #tpu.memory_space<vmem>>)
    %dma_wait3A_7 = tpu.memref_slice %arg3[%mul3A_2] : memref<16384xi32, #tpu.memory_space<hbm>> -> memref<512xi32, #tpu.memory_space<hbm>>
    %dma_wait3A_8 = tpu.memref_slice %arg3[%mul3A_2] : memref<16384xi32, #tpu.memory_space<hbm>> -> memref<512xi32, #tpu.memory_space<hbm>>
    tpu.wait_dma2 semaphore(%arg11 : memref<!tpu.dma_semaphore, #tpu.memory_space<semaphore_mem>>) src(%dma_wait3A_8 : memref<512xi32, #tpu.memory_space<hbm>>) dst(%arg7 : memref<512xi32, #tpu.memory_space<vmem>>)
    %dma_start3A_9 = arith.constant 0 : i32
    %dma_start3A_10 = tpu.memref_slice %arg8[%dma_start3A_9] : memref<512xf32, #tpu.memory_space<vmem>> -> memref<128xf32, #tpu.memory_space<vmem>>
    %dma_start3A_11 = arith.constant 0 : i32
    %dma_start3A_12 = tpu.memref_slice %arg6[%dma_start3A_11] : memref<512xi32, #tpu.memory_space<vmem>> -> memref<128xi32, #tpu.memory_space<vmem>>
    %dma_start3A_13 = arith.constant 0 : i32
    %dma_start3A_14 = tpu.memref_slice %arg4[%dma_start3A_13] : memref<1000000xf32, #tpu.memory_space<hbm>> -> memref<1000000xf32, #tpu.memory_space<hbm>>
    tpu.enqueue_indirect_dma source(%dma_start3A_14 : memref<1000000xf32, #tpu.memory_space<hbm>>) target(%dma_start3A_10 : memref<128xf32, #tpu.memory_space<vmem>>) offsets(%dma_start3A_12 : memref<128xi32, #tpu.memory_space<vmem>>) semaphore(%arg11 : memref<!tpu.dma_semaphore, #tpu.memory_space<semaphore_mem>>)
    %dma_start3A_15 = arith.constant 0 : i32
    %dma_start3A_16 = tpu.memref_slice %arg9[%dma_start3A_15] : memref<512xf32, #tpu.memory_space<vmem>> -> memref<128xf32, #tpu.memory_space<vmem>>
    %dma_start3A_17 = arith.constant 0 : i32
    %dma_start3A_18 = tpu.memref_slice %arg7[%dma_start3A_17] : memref<512xi32, #tpu.memory_space<vmem>> -> memref<128xi32, #tpu.memory_space<vmem>>
    %dma_start3A_19 = arith.constant 0 : i32
    %dma_start3A_20 = tpu.memref_slice %arg4[%dma_start3A_19] : memref<1000000xf32, #tpu.memory_space<hbm>> -> memref<1000000xf32, #tpu.memory_space<hbm>>
    tpu.enqueue_indirect_dma source(%dma_start3A_20 : memref<1000000xf32, #tpu.memory_space<hbm>>) target(%dma_start3A_16 : memref<128xf32, #tpu.memory_space<vmem>>) offsets(%dma_start3A_18 : memref<128xi32, #tpu.memory_space<vmem>>) semaphore(%arg11 : memref<!tpu.dma_semaphore, #tpu.memory_space<semaphore_mem>>)
    %dma_start3A_21 = arith.constant 128 : i32
    %dma_start3A_22 = tpu.memref_slice %arg8[%dma_start3A_21] : memref<512xf32, #tpu.memory_space<vmem>> -> memref<128xf32, #tpu.memory_space<vmem>>
    %dma_start3A_23 = arith.constant 128 : i32
    %dma_start3A_24 = tpu.memref_slice %arg6[%dma_start3A_23] : memref<512xi32, #tpu.memory_space<vmem>> -> memref<128xi32, #tpu.memory_space<vmem>>
    %dma_start3A_25 = arith.constant 0 : i32
    %dma_start3A_26 = tpu.memref_slice %arg4[%dma_start3A_25] : memref<1000000xf32, #tpu.memory_space<hbm>> -> memref<1000000xf32, #tpu.memory_space<hbm>>
    tpu.enqueue_indirect_dma source(%dma_start3A_26 : memref<1000000xf32, #tpu.memory_space<hbm>>) target(%dma_start3A_22 : memref<128xf32, #tpu.memory_space<vmem>>) offsets(%dma_start3A_24 : memref<128xi32, #tpu.memory_space<vmem>>) semaphore(%arg11 : memref<!tpu.dma_semaphore, #tpu.memory_space<semaphore_mem>>)
    %dma_start3A_27 = arith.constant 128 : i32
    %dma_start3A_28 = tpu.memref_slice %arg9[%dma_start3A_27] : memref<512xf32, #tpu.memory_space<vmem>> -> memref<128xf32, #tpu.memory_space<vmem>>
    %dma_start3A_29 = arith.constant 128 : i32
    %dma_start3A_30 = tpu.memref_slice %arg7[%dma_start3A_29] : memref<512xi32, #tpu.memory_space<vmem>> -> memref<128xi32, #tpu.memory_space<vmem>>
    %dma_start3A_31 = arith.constant 0 : i32
    %dma_start3A_32 = tpu.memref_slice %arg4[%dma_start3A_31] : memref<1000000xf32, #tpu.memory_space<hbm>> -> memref<1000000xf32, #tpu.memory_space<hbm>>
    tpu.enqueue_indirect_dma source(%dma_start3A_32 : memref<1000000xf32, #tpu.memory_space<hbm>>) target(%dma_start3A_28 : memref<128xf32, #tpu.memory_space<vmem>>) offsets(%dma_start3A_30 : memref<128xi32, #tpu.memory_space<vmem>>) semaphore(%arg11 : memref<!tpu.dma_semaphore, #tpu.memory_space<semaphore_mem>>)
    %dma_start3A_33 = arith.constant 256 : i32
    %dma_start3A_34 = tpu.memref_slice %arg8[%dma_start3A_33] : memref<512xf32, #tpu.memory_space<vmem>> -> memref<128xf32, #tpu.memory_space<vmem>>
    %dma_start3A_35 = arith.constant 256 : i32
    %dma_start3A_36 = tpu.memref_slice %arg6[%dma_start3A_35] : memref<512xi32, #tpu.memory_space<vmem>> -> memref<128xi32, #tpu.memory_space<vmem>>
    %dma_start3A_37 = arith.constant 0 : i32
    %dma_start3A_38 = tpu.memref_slice %arg4[%dma_start3A_37] : memref<1000000xf32, #tpu.memory_space<hbm>> -> memref<1000000xf32, #tpu.memory_space<hbm>>
    tpu.enqueue_indirect_dma source(%dma_start3A_38 : memref<1000000xf32, #tpu.memory_space<hbm>>) target(%dma_start3A_34 : memref<128xf32, #tpu.memory_space<vmem>>) offsets(%dma_start3A_36 : memref<128xi32, #tpu.memory_space<vmem>>) semaphore(%arg11 : memref<!tpu.dma_semaphore, #tpu.memory_space<semaphore_mem>>)
    %dma_start3A_39 = arith.constant 256 : i32
    %dma_start3A_40 = tpu.memref_slice %arg9[%dma_start3A_39] : memref<512xf32, #tpu.memory_space<vmem>> -> memref<128xf32, #tpu.memory_space<vmem>>
    %dma_start3A_41 = arith.constant 256 : i32
    %dma_start3A_42 = tpu.memref_slice %arg7[%dma_start3A_41] : memref<512xi32, #tpu.memory_space<vmem>> -> memref<128xi32, #tpu.memory_space<vmem>>
    %dma_start3A_43 = arith.constant 0 : i32
    %dma_start3A_44 = tpu.memref_slice %arg4[%dma_start3A_43] : memref<1000000xf32, #tpu.memory_space<hbm>> -> memref<1000000xf32, #tpu.memory_space<hbm>>
    tpu.enqueue_indirect_dma source(%dma_start3A_44 : memref<1000000xf32, #tpu.memory_space<hbm>>) target(%dma_start3A_40 : memref<128xf32, #tpu.memory_space<vmem>>) offsets(%dma_start3A_42 : memref<128xi32, #tpu.memory_space<vmem>>) semaphore(%arg11 : memref<!tpu.dma_semaphore, #tpu.memory_space<semaphore_mem>>)
    %dma_start3A_45 = arith.constant 384 : i32
    %dma_start3A_46 = tpu.memref_slice %arg8[%dma_start3A_45] : memref<512xf32, #tpu.memory_space<vmem>> -> memref<128xf32, #tpu.memory_space<vmem>>
    %dma_start3A_47 = arith.constant 384 : i32
    %dma_start3A_48 = tpu.memref_slice %arg6[%dma_start3A_47] : memref<512xi32, #tpu.memory_space<vmem>> -> memref<128xi32, #tpu.memory_space<vmem>>
    %dma_start3A_49 = arith.constant 0 : i32
    %dma_start3A_50 = tpu.memref_slice %arg4[%dma_start3A_49] : memref<1000000xf32, #tpu.memory_space<hbm>> -> memref<1000000xf32, #tpu.memory_space<hbm>>
    tpu.enqueue_indirect_dma source(%dma_start3A_50 : memref<1000000xf32, #tpu.memory_space<hbm>>) target(%dma_start3A_46 : memref<128xf32, #tpu.memory_space<vmem>>) offsets(%dma_start3A_48 : memref<128xi32, #tpu.memory_space<vmem>>) semaphore(%arg11 : memref<!tpu.dma_semaphore, #tpu.memory_space<semaphore_mem>>)
    %dma_start3A_51 = arith.constant 384 : i32
    %dma_start3A_52 = tpu.memref_slice %arg9[%dma_start3A_51] : memref<512xf32, #tpu.memory_space<vmem>> -> memref<128xf32, #tpu.memory_space<vmem>>
    %dma_start3A_53 = arith.constant 384 : i32
    %dma_start3A_54 = tpu.memref_slice %arg7[%dma_start3A_53] : memref<512xi32, #tpu.memory_space<vmem>> -> memref<128xi32, #tpu.memory_space<vmem>>
    %dma_start3A_55 = arith.constant 0 : i32
    %dma_start3A_56 = tpu.memref_slice %arg4[%dma_start3A_55] : memref<1000000xf32, #tpu.memory_space<hbm>> -> memref<1000000xf32, #tpu.memory_space<hbm>>
    tpu.enqueue_indirect_dma source(%dma_start3A_56 : memref<1000000xf32, #tpu.memory_space<hbm>>) target(%dma_start3A_52 : memref<128xf32, #tpu.memory_space<vmem>>) offsets(%dma_start3A_54 : memref<128xi32, #tpu.memory_space<vmem>>) semaphore(%arg11 : memref<!tpu.dma_semaphore, #tpu.memory_space<semaphore_mem>>)
    %dma_wait3A_57 = arith.constant 0 : i32
    %dma_wait3A_58 = tpu.memref_slice %arg8[%dma_wait3A_57] : memref<512xf32, #tpu.memory_space<vmem>> -> memref<128xf32, #tpu.memory_space<vmem>>
    %dma_wait3A_59 = arith.constant 0 : i32
    %dma_wait3A_60 = tpu.memref_slice %arg6[%dma_wait3A_59] : memref<512xi32, #tpu.memory_space<vmem>> -> memref<128xi32, #tpu.memory_space<vmem>>
    %dma_wait3A_61 = arith.constant 0 : i32
    %dma_wait3A_62 = tpu.memref_slice %arg4[%dma_wait3A_61] : memref<1000000xf32, #tpu.memory_space<hbm>> -> memref<1000000xf32, #tpu.memory_space<hbm>>
    tpu.wait_indirect_dma semaphore(%arg11 : memref<!tpu.dma_semaphore, #tpu.memory_space<semaphore_mem>>) src(%dma_wait3A_62 : memref<1000000xf32, #tpu.memory_space<hbm>>) dst(%dma_wait3A_58 : memref<128xf32, #tpu.memory_space<vmem>>)
    %dma_wait3A_63 = arith.constant 0 : i32
    %dma_wait3A_64 = tpu.memref_slice %arg9[%dma_wait3A_63] : memref<512xf32, #tpu.memory_space<vmem>> -> memref<128xf32, #tpu.memory_space<vmem>>
    %dma_wait3A_65 = arith.constant 0 : i32
    %dma_wait3A_66 = tpu.memref_slice %arg7[%dma_wait3A_65] : memref<512xi32, #tpu.memory_space<vmem>> -> memref<128xi32, #tpu.memory_space<vmem>>
    %dma_wait3A_67 = arith.constant 0 : i32
    %dma_wait3A_68 = tpu.memref_slice %arg4[%dma_wait3A_67] : memref<1000000xf32, #tpu.memory_space<hbm>> -> memref<1000000xf32, #tpu.memory_space<hbm>>
    tpu.wait_indirect_dma semaphore(%arg11 : memref<!tpu.dma_semaphore, #tpu.memory_space<semaphore_mem>>) src(%dma_wait3A_68 : memref<1000000xf32, #tpu.memory_space<hbm>>) dst(%dma_wait3A_64 : memref<128xf32, #tpu.memory_space<vmem>>)
    %dma_wait3A_69 = arith.constant 128 : i32
    %dma_wait3A_70 = tpu.memref_slice %arg8[%dma_wait3A_69] : memref<512xf32, #tpu.memory_space<vmem>> -> memref<128xf32, #tpu.memory_space<vmem>>
    %dma_wait3A_71 = arith.constant 128 : i32
    %dma_wait3A_72 = tpu.memref_slice %arg6[%dma_wait3A_71] : memref<512xi32, #tpu.memory_space<vmem>> -> memref<128xi32, #tpu.memory_space<vmem>>
    %dma_wait3A_73 = arith.constant 0 : i32
    %dma_wait3A_74 = tpu.memref_slice %arg4[%dma_wait3A_73] : memref<1000000xf32, #tpu.memory_space<hbm>> -> memref<1000000xf32, #tpu.memory_space<hbm>>
    tpu.wait_indirect_dma semaphore(%arg11 : memref<!tpu.dma_semaphore, #tpu.memory_space<semaphore_mem>>) src(%dma_wait3A_74 : memref<1000000xf32, #tpu.memory_space<hbm>>) dst(%dma_wait3A_70 : memref<128xf32, #tpu.memory_space<vmem>>)
    %dma_wait3A_75 = arith.constant 128 : i32
    %dma_wait3A_76 = tpu.memref_slice %arg9[%dma_wait3A_75] : memref<512xf32, #tpu.memory_space<vmem>> -> memref<128xf32, #tpu.memory_space<vmem>>
    %dma_wait3A_77 = arith.constant 128 : i32
    %dma_wait3A_78 = tpu.memref_slice %arg7[%dma_wait3A_77] : memref<512xi32, #tpu.memory_space<vmem>> -> memref<128xi32, #tpu.memory_space<vmem>>
    %dma_wait3A_79 = arith.constant 0 : i32
    %dma_wait3A_80 = tpu.memref_slice %arg4[%dma_wait3A_79] : memref<1000000xf32, #tpu.memory_space<hbm>> -> memref<1000000xf32, #tpu.memory_space<hbm>>
    tpu.wait_indirect_dma semaphore(%arg11 : memref<!tpu.dma_semaphore, #tpu.memory_space<semaphore_mem>>) src(%dma_wait3A_80 : memref<1000000xf32, #tpu.memory_space<hbm>>) dst(%dma_wait3A_76 : memref<128xf32, #tpu.memory_space<vmem>>)
    %dma_wait3A_81 = arith.constant 256 : i32
    %dma_wait3A_82 = tpu.memref_slice %arg8[%dma_wait3A_81] : memref<512xf32, #tpu.memory_space<vmem>> -> memref<128xf32, #tpu.memory_space<vmem>>
    %dma_wait3A_83 = arith.constant 256 : i32
    %dma_wait3A_84 = tpu.memref_slice %arg6[%dma_wait3A_83] : memref<512xi32, #tpu.memory_space<vmem>> -> memref<128xi32, #tpu.memory_space<vmem>>
    %dma_wait3A_85 = arith.constant 0 : i32
    %dma_wait3A_86 = tpu.memref_slice %arg4[%dma_wait3A_85] : memref<1000000xf32, #tpu.memory_space<hbm>> -> memref<1000000xf32, #tpu.memory_space<hbm>>
    tpu.wait_indirect_dma semaphore(%arg11 : memref<!tpu.dma_semaphore, #tpu.memory_space<semaphore_mem>>) src(%dma_wait3A_86 : memref<1000000xf32, #tpu.memory_space<hbm>>) dst(%dma_wait3A_82 : memref<128xf32, #tpu.memory_space<vmem>>)
    %dma_wait3A_87 = arith.constant 256 : i32
    %dma_wait3A_88 = tpu.memref_slice %arg9[%dma_wait3A_87] : memref<512xf32, #tpu.memory_space<vmem>> -> memref<128xf32, #tpu.memory_space<vmem>>
    %dma_wait3A_89 = arith.constant 256 : i32
    %dma_wait3A_90 = tpu.memref_slice %arg7[%dma_wait3A_89] : memref<512xi32, #tpu.memory_space<vmem>> -> memref<128xi32, #tpu.memory_space<vmem>>
    %dma_wait3A_91 = arith.constant 0 : i32
    %dma_wait3A_92 = tpu.memref_slice %arg4[%dma_wait3A_91] : memref<1000000xf32, #tpu.memory_space<hbm>> -> memref<1000000xf32, #tpu.memory_space<hbm>>
    tpu.wait_indirect_dma semaphore(%arg11 : memref<!tpu.dma_semaphore, #tpu.memory_space<semaphore_mem>>) src(%dma_wait3A_92 : memref<1000000xf32, #tpu.memory_space<hbm>>) dst(%dma_wait3A_88 : memref<128xf32, #tpu.memory_space<vmem>>)
    %dma_wait3A_93 = arith.constant 384 : i32
    %dma_wait3A_94 = tpu.memref_slice %arg8[%dma_wait3A_93] : memref<512xf32, #tpu.memory_space<vmem>> -> memref<128xf32, #tpu.memory_space<vmem>>
    %dma_wait3A_95 = arith.constant 384 : i32
    %dma_wait3A_96 = tpu.memref_slice %arg6[%dma_wait3A_95] : memref<512xi32, #tpu.memory_space<vmem>> -> memref<128xi32, #tpu.memory_space<vmem>>
    %dma_wait3A_97 = arith.constant 0 : i32
    %dma_wait3A_98 = tpu.memref_slice %arg4[%dma_wait3A_97] : memref<1000000xf32, #tpu.memory_space<hbm>> -> memref<1000000xf32, #tpu.memory_space<hbm>>
    tpu.wait_indirect_dma semaphore(%arg11 : memref<!tpu.dma_semaphore, #tpu.memory_space<semaphore_mem>>) src(%dma_wait3A_98 : memref<1000000xf32, #tpu.memory_space<hbm>>) dst(%dma_wait3A_94 : memref<128xf32, #tpu.memory_space<vmem>>)
    %dma_wait3A_99 = arith.constant 384 : i32
    %dma_wait3A_100 = tpu.memref_slice %arg9[%dma_wait3A_99] : memref<512xf32, #tpu.memory_space<vmem>> -> memref<128xf32, #tpu.memory_space<vmem>>
    %dma_wait3A_101 = arith.constant 384 : i32
    %dma_wait3A_102 = tpu.memref_slice %arg7[%dma_wait3A_101] : memref<512xi32, #tpu.memory_space<vmem>> -> memref<128xi32, #tpu.memory_space<vmem>>
    %dma_wait3A_103 = arith.constant 0 : i32
    %dma_wait3A_104 = tpu.memref_slice %arg4[%dma_wait3A_103] : memref<1000000xf32, #tpu.memory_space<hbm>> -> memref<1000000xf32, #tpu.memory_space<hbm>>
    tpu.wait_indirect_dma semaphore(%arg11 : memref<!tpu.dma_semaphore, #tpu.memory_space<semaphore_mem>>) src(%dma_wait3A_104 : memref<1000000xf32, #tpu.memory_space<hbm>>) dst(%dma_wait3A_100 : memref<128xf32, #tpu.memory_space<vmem>>)
    %scan3A = arith.constant 0 : i32
    %scan3A_105 = arith.constant 0 : i32
    %scan3A_106 = arith.constant 32 : i32
    %scan3A_107 = arith.addi %scan3A_105, %scan3A_106 : i32
    %scan3A_108 = arith.constant 4 : i32
    %scan3A_109 = scf.for %scan3A_111 = %scan3A_105 to %scan3A_107 step %scan3A_108 iter_args(%scan3A_112 = %scan3A) -> (i32)  : i32 {
      %mul3A_113 = arith.constant 16 : i32
      %mul3A_114 = arith.muli %scan3A_111, %mul3A_113 : i32
      %get3A = arith.index_cast %mul3A_114 : i32 to index
      %get3A_115 = tpu.vector_load %arg8[%get3A] {strides = array<i32>} : memref<512xf32, #tpu.memory_space<vmem>>, vector<16xf32>,
      %get3A_116 = arith.index_cast %mul3A_114 : i32 to index
      %get3A_117 = tpu.vector_load %arg9[%get3A_116] {strides = array<i32>} : memref<512xf32, #tpu.memory_space<vmem>>, vector<16xf32>,
      %sub3A = arith.subf %get3A_115, %get3A_117 : vector<16xf32>
      %mul3A_118 = arith.constant 0.00575646292 : f32
      %mul3A_119 = vector.broadcast %mul3A_118 : f32 to vector<16xf32>
      %mul3A_120 = arith.mulf %sub3A, %mul3A_119 : vector<16xf32>
      %swap3A = arith.index_cast %mul3A_114 : i32 to index
      %swap3A_121 = tpu.vector_load %arg10[%swap3A] {strides = array<i32>} : memref<512xf32, #tpu.memory_space<vmem>>, vector<16xf32>,
      tpu.vector_store %arg10[%swap3A], %mul3A_120 {strides = array<i32>} : memref<512xf32, #tpu.memory_space<vmem>>, vector<16xf32>,
      %scan3A_122 = arith.constant 0 : i32
      %scan3A_123 = arith.constant 1 : i32
      %scan3A_124 = arith.addi %scan3A_111, %scan3A_123 : i32
      %mul3A_125 = arith.constant 16 : i32
      %mul3A_126 = arith.muli %scan3A_124, %mul3A_125 : i32
      %get3A_127 = arith.index_cast %mul3A_126 : i32 to index
      %get3A_128 = tpu.vector_load %arg8[%get3A_127] {strides = array<i32>} : memref<512xf32, #tpu.memory_space<vmem>>, vector<16xf32>,
      %get3A_129 = arith.index_cast %mul3A_126 : i32 to index
      %get3A_130 = tpu.vector_load %arg9[%get3A_129] {strides = array<i32>} : memref<512xf32, #tpu.memory_space<vmem>>, vector<16xf32>,
      %sub3A_131 = arith.subf %get3A_128, %get3A_130 : vector<16xf32>
      %mul3A_132 = arith.constant 0.00575646292 : f32
      %mul3A_133 = vector.broadcast %mul3A_132 : f32 to vector<16xf32>
      %mul3A_134 = arith.mulf %sub3A_131, %mul3A_133 : vector<16xf32>
      %swap3A_135 = arith.index_cast %mul3A_126 : i32 to index
      %swap3A_136 = tpu.vector_load %arg10[%swap3A_135] {strides = array<i32>} : memref<512xf32, #tpu.memory_space<vmem>>, vector<16xf32>,
      tpu.vector_store %arg10[%swap3A_135], %mul3A_134 {strides = array<i32>} : memref<512xf32, #tpu.memory_space<vmem>>, vector<16xf32>,
      %scan3A_137 = arith.constant 0 : i32
      %scan3A_138 = arith.constant 2 : i32
      %scan3A_139 = arith.addi %scan3A_111, %scan3A_138 : i32
      %mul3A_140 = arith.constant 16 : i32
      %mul3A_141 = arith.muli %scan3A_139, %mul3A_140 : i32
      %get3A_142 = arith.index_cast %mul3A_141 : i32 to index
      %get3A_143 = tpu.vector_load %arg8[%get3A_142] {strides = array<i32>} : memref<512xf32, #tpu.memory_space<vmem>>, vector<16xf32>,
      %get3A_144 = arith.index_cast %mul3A_141 : i32 to index
      %get3A_145 = tpu.vector_load %arg9[%get3A_144] {strides = array<i32>} : memref<512xf32, #tpu.memory_space<vmem>>, vector<16xf32>,
      %sub3A_146 = arith.subf %get3A_143, %get3A_145 : vector<16xf32>
      %mul3A_147 = arith.constant 0.00575646292 : f32
      %mul3A_148 = vector.broadcast %mul3A_147 : f32 to vector<16xf32>
      %mul3A_149 = arith.mulf %sub3A_146, %mul3A_148 : vector<16xf32>
      %swap3A_150 = arith.index_cast %mul3A_141 : i32 to index
      %swap3A_151 = tpu.vector_load %arg10[%swap3A_150] {strides = array<i32>} : memref<512xf32, #tpu.memory_space<vmem>>, vector<16xf32>,
      tpu.vector_store %arg10[%swap3A_150], %mul3A_149 {strides = array<i32>} : memref<512xf32, #tpu.memory_space<vmem>>, vector<16xf32>,
      %scan3A_152 = arith.constant 0 : i32
      %scan3A_153 = arith.constant 3 : i32
      %scan3A_154 = arith.addi %scan3A_111, %scan3A_153 : i32
      %mul3A_155 = arith.constant 16 : i32
      %mul3A_156 = arith.muli %scan3A_154, %mul3A_155 : i32
      %get3A_157 = arith.index_cast %mul3A_156 : i32 to index
      %get3A_158 = tpu.vector_load %arg8[%get3A_157] {strides = array<i32>} : memref<512xf32, #tpu.memory_space<vmem>>, vector<16xf32>,
      %get3A_159 = arith.index_cast %mul3A_156 : i32 to index
      %get3A_160 = tpu.vector_load %arg9[%get3A_159] {strides = array<i32>} : memref<512xf32, #tpu.memory_space<vmem>>, vector<16xf32>,
      %sub3A_161 = arith.subf %get3A_158, %get3A_160 : vector<16xf32>
      %mul3A_162 = arith.constant 0.00575646292 : f32
      %mul3A_163 = vector.broadcast %mul3A_162 : f32 to vector<16xf32>
      %mul3A_164 = arith.mulf %sub3A_161, %mul3A_163 : vector<16xf32>
      %swap3A_165 = arith.index_cast %mul3A_156 : i32 to index
      %swap3A_166 = tpu.vector_load %arg10[%swap3A_165] {strides = array<i32>} : memref<512xf32, #tpu.memory_space<vmem>>, vector<16xf32>,
      tpu.vector_store %arg10[%swap3A_165], %mul3A_164 {strides = array<i32>} : memref<512xf32, #tpu.memory_space<vmem>>, vector<16xf32>,
      %scan3A_167 = arith.constant 0 : i32
      scf.yield %scan3A_167 : i32
    }
    %scan3A_110 = arith.constant 32 : i32
    "tpu.region"() ({
      %run_scoped3A = tpu.sem_alloc : memref<!tpu.dma_semaphore, #tpu.memory_space<semaphore_mem>>
      %dma_start3A_111 = tpu.memref_slice %arg5[%mul3A_2] : memref<16384xf32, #tpu.memory_space<hbm>> -> memref<512xf32, #tpu.memory_space<hbm>>
      %dma_start3A_112 = tpu.memref_slice %arg5[%mul3A_2] : memref<16384xf32, #tpu.memory_space<hbm>> -> memref<512xf32, #tpu.memory_space<hbm>>
      tpu.enqueue_dma source(%arg10 : memref<512xf32, #tpu.memory_space<vmem>>) target(%dma_start3A_112 : memref<512xf32, #tpu.memory_space<hbm>>) target_semaphore(%run_scoped3A : memref<!tpu.dma_semaphore, #tpu.memory_space<semaphore_mem>>)
      %dma_wait3A_113 = tpu.memref_slice %arg5[%mul3A_2] : memref<16384xf32, #tpu.memory_space<hbm>> -> memref<512xf32, #tpu.memory_space<hbm>>
      %dma_wait3A_114 = tpu.memref_slice %arg5[%mul3A_2] : memref<16384xf32, #tpu.memory_space<hbm>> -> memref<512xf32, #tpu.memory_space<hbm>>
      tpu.wait_dma2 semaphore(%run_scoped3A : memref<!tpu.dma_semaphore, #tpu.memory_space<semaphore_mem>>) src(%arg10 : memref<512xf32, #tpu.memory_space<vmem>>) dst(%dma_wait3A_114 : memref<512xf32, #tpu.memory_space<hbm>>)
      tpu.yield
    }) : () -> ()
    return
  }
}

</mosaic_0001>

<sc_bundles>
// kernel: _elo_call.3.cloned.1.call-start
scs
__scs_entry_jumppad:
0x0: {  	(pc) =	sbr.rel $0x88, $3  }
0x1: {  	(tag) =	ssettag $0x0;
	lr =	simm.s32 $0x1  }
0x2: {  	[smem:$0x3F9E] =	sst lr;
	_ =	strace $0xD0000000  }
0x3: {  	_ = 	snop  }
0x4: {  	_ = 	snop  }
0x5: {  	_ = 	snop  }
0x6: {  	_ = 	snop  }
0x7: {  	_ = 	snop  }
__scs_overlays_trampoline_lowered:
0x8: {  	[smem:$0x3FAD] =	sst s0  }
0x9: {  	[smem:$0x3FAE] =	sst s1  }
0xa: {  	[smem:$0x3FAF] =	sst s2  }
0xb: {  	[smem:$0x3FB0] =	sst s3  }
0xc: {  	[smem:$0x3FB1] =	sst s4  }
0xd: {  	[smem:$0x3FB2] =	sst s5  }
0xe: {  	[smem:$0x3FB3] =	sst s6  }
0xf: {  	[smem:$0x3FB4] =	sst s7  }
0x10: {  	[smem:$0x3FB5] =	sst s8  }
0x11: {  	[smem:$0x3FB6] =	sst s9;
	s0 =	simm.s32 @!p0 $0x0  }
0x12: {  	s1 =	sld [smem:$0x3F9C];
	s0 =	simm.s32 @p0 $0x1  }
0x13: {  	[smem:$0x3FB7] =	sst s0;
	s0 =	simm.s32 @!p1 $0x0  }
0x14: {  	s2 =	sld [smem:$0x3F9B];
	s0 =	simm.s32 @p1 $0x1  }
0x15: {  	[smem:$0x3FB8] =	sst s0;
	s0 =	simm.s32 @!p2 $0x0  }
0x16: {  	s3 =	sld [smem:$0x3FDB];
	s0 =	simm.s32 @p2 $0x1  }
0x17: {  	s4 =	simm.s32 $0x1BF5;
	[smem:$0x3FBA] =	sst s0  }
0x18: {  	s0 =	sld [smem:$0x3F9D];
	_ =	swait.ge [sflag:s4], $0x0  }
0x19: {  	s7 =	sld [smem:$0x3F9E]  }
0x1a: {  	s8 =	sadd.s32 $0xFFFFE003, lr  }
0x1b: {  	s9 =	sadd.s32 $0xFFFFFEF7, lr;
	s5 =	simm.s32 $0xFFFFFFFF;
	p2 =	slt.u32 s8, $0xFFFFF086  }
0x1c: {  	p1 =	slt.u32 s9, $0xF7A;
	s5 =	simm.s32 @!p2 $0x0  }
0x1d: {  	s5 =	simm.s32 @p1 $0x1;
	p0 =	seq.s32 s7, s2  }
0x1e: {  	s7 =	smul.u32 @!p0 $0xF7A, s2;
	p2 =	seq.s32 @!p0 s5, $0x0  }
0x1f: {  	s9 =	smul.u32 $0xF7A, s1;
	s8 =	simm.s32 @!p0 $0x1BF5;
	p2 =	por !p2, p0  }
0x20: {  	[sflag:s8] =	ssyncset.s32 @!p0 $0xFFFFF086;
	s6 =	sadd.s32 @!p0 s3, s7;
	s7 =	simm.s32 @!p0 $0x108  }
0x21: {  	s3 =	sadd.s32 s3, s9;
	s6 =	sadd.s32 @!p0 $0x88, s6;
	s7 =	simm.s32 @p2 $0x1082  }
0x22: {  	[simem:s7], [sflag:s8] =	dma.local @!p0 [hbm:s6], $0xF7A  }
0x23: {  	s9 =	sor.u32 $0xD0000000, s2;
	s6 =	simm.s32 $0x108;
	_ =	swait.ge @!p0 [sflag:s8], $0x0  }
0x24: {  	s3 =	sadd.s32 $0x88, s3;
	s6 =	simm.s32 @!p1 $0x1082;
	[sflag:s4] =	ssyncset.s32 $0xFFFFF086  }
0x25: {  	[simem:s6], [sflag:s4] =	dma.local [hbm:s3], $0xF7A  }
0x26: {  	[smem:$0x3F9E] =	sst s1;
	(tag) =	ssettag s2;
	_ =	strace s9  }
0x27: {  	s1 =	sld [smem:$0x3FAE]  }
0x28: {  	s2 =	sld [smem:$0x3FAF]  }
0x29: {  	s4 =	sld [smem:$0x3FB1]  }
0x2a: {  	p0 =	seq.s32 s5, $0x0;
	s5 =	sld [smem:$0x3FB2]  }
0x2b: {  	s6 =	sld [smem:$0x3FB3]  }
0x2c: {  	s7 =	sld [smem:$0x3FB4]  }
0x2d: {  	s3 =	simm.s32 $0x108;
	s8 =	sld [smem:$0x3FB5]  }
0x2e: {  	s3 =	simm.s32 @!p0 $0x1082;
	s9 =	sld [smem:$0x3FB6]  }
0x2f: {  	lr =	sadd.s32 s0, s3;
	s0 =	sld [smem:$0x3FAD]  }
0x30: {  	s3 =	sld [smem:$0x3FB0]  }
0x31: {  	[smem:$0x3FB9] =	sst s10  }
0x32: {  	s10 =	sld [smem:$0x3FB7];
	_ =	sdelay $0x3  }
0x33: {  	p0 =	seq.s32 s10, $0x1;
	s10 =	sld [smem:$0x3FB9];
	_ =	sdelay $0x3  }
0x34: {  	[smem:$0x3FB9] =	sst s10  }
0x35: {  	s10 =	sld [smem:$0x3FB8];
	_ =	sdelay $0x3  }
0x36: {  	p1 =	seq.s32 s10, $0x1;
	s10 =	sld [smem:$0x3FB9];
	_ =	sdelay $0x3  }
0x37: {  	[smem:$0x3FB9] =	sst s10  }
0x38: {  	s10 =	sld [smem:$0x3FBA]  }
0x39: {  	_ = 	snop;
	(pc) =	sbr.ind lr, $3  }
0x3a: {  	_ = 	snop  }
0x3b: {  	_ = 	snop  }
0x3c: {  	p2 =	seq.s32 s10, $0x1;
	s10 =	sld [smem:$0x3FB9]  }
0x3d: {  	_ =	shalt  }
0x3e: {  	_ =	shalt  }
0x3f: {  	_ =	shalt  }
0x40: {  	_ =	shalt  }
0x41: {  	_ =	shalt  }
0x42: {  	_ =	shalt  }
0x43: {  	_ =	shalt  }
0x44: {  	_ =	shalt  }
0x45: {  	_ =	shalt  }
0x46: {  	_ =	shalt  }
0x47: {  	_ =	shalt  }
0x48: {  	_ =	shalt  }
0x49: {  	_ =	shalt  }
0x4a: {  	_ =	shalt  }
0x4b: {  	_ =	shalt  }
0x4c: {  	_ =	shalt  }
0x4d: {  	_ =	shalt  }
0x4e: {  	_ =	shalt  }
0x4f: {  	_ =	shalt  }
0x50: {  	_ =	shalt  }
0x51: {  	_ =	shalt  }
0x52: {  	_ =	shalt  }
0x53: {  	_ =	shalt  }
0x54: {  	_ =	shalt  }
0x55: {  	_ =	shalt  }
0x56: {  	_ =	shalt  }
0x57: {  	_ =	shalt  }
0x58: {  	_ =	shalt  }
0x59: {  	_ =	shalt  }
0x5a: {  	_ =	shalt  }
0x5b: {  	_ =	shalt  }
0x5c: {  	_ =	shalt  }
0x5d: {  	_ =	shalt  }
0x5e: {  	_ =	shalt  }
0x5f: {  	_ =	shalt  }
0x60: {  	_ =	shalt  }
0x61: {  	_ =	shalt  }
0x62: {  	_ =	shalt  }
0x63: {  	_ =	shalt  }
0x64: {  	_ =	shalt  }
0x65: {  	_ =	shalt  }
0x66: {  	_ =	shalt  }
0x67: {  	_ =	shalt  }
0x68: {  	_ =	shalt  }
0x69: {  	_ =	shalt  }
0x6a: {  	_ =	shalt  }
0x6b: {  	_ =	shalt  }
0x6c: {  	_ =	shalt  }
0x6d: {  	_ =	shalt  }
0x6e: {  	_ =	shalt  }
0x6f: {  	_ =	shalt  }
0x70: {  	_ =	shalt  }
0x71: {  	_ =	shalt  }
0x72: {  	_ =	shalt  }
0x73: {  	_ =	shalt  }
0x74: {  	_ =	shalt  }
0x75: {  	_ =	shalt  }
0x76: {  	_ =	shalt  }
0x77: {  	_ =	shalt  }
0x78: {  	_ =	shalt  }
0x79: {  	_ =	shalt  }
0x7a: {  	_ =	shalt  }
0x7b: {  	_ =	shalt  }
0x7c: {  	_ =	shalt  }
0x7d: {  	_ =	shalt  }
0x7e: {  	_ =	shalt  }
0x7f: {  	_ =	shalt  }
0x80: {  	_ =	shalt  }
0x81: {  	_ =	shalt  }
0x82: {  	_ =	shalt  }
0x83: {  	_ =	shalt  }
0x84: {  	_ =	shalt  }
0x85: {  	_ =	shalt  }
0x86: {  	_ =	shalt  }
0x87: {  	_ =	shalt  }
.Lfunc_end0:
.L_simem_size_0:
called_computation_lowered:
.L_overlay_start_0:
0x88: {  	s2 =	sld [smem:$0x3FD9]  }
0x89: {  	s3 =	sld [smem:$0x3FFE];
	_ =	sdelay $0x1  }
0x8a: {  	s1 =	srdreg.scid  }
0x8b: {  	s0 =	sand.u32 $0x1, s1  }
0x8c: {  	s18 =	sshll.u32 s0, $0xA;
	s2 =	sadd.s32 s3, s2  }
0x8d: {  	s2 =	sadd.s32 s2, s18  }
0x8e: {  	[smem:$0x3FC5] =	sst s2  }
0x8f: {  	_ = 	snop  }
0x90: {  	s2 =	sld [smem:$0x3FC9]  }
0x91: {  	s19 =	sld [smem:$0x3FC8]  }
0x92: {  	s4 =	sld [smem:$0x3FC7]  }
0x93: {  	s5 =	sld [smem:$0x3FD0];
	(tm) =	ssettm $0x1  }
0x94: {  	s6 =	sld [smem:$0x3FFB];
	_ =	sdelay $0x3  }
0x95: {  	_ =	strace s6  }
0x96: {  	s6 =	sld [smem:$0x3FFC];
	_ =	sdelay $0x3  }
0x97: {  	_ =	strace s6  }
0x98: {  	s6 =	sld [smem:$0x3FFD];
	_ =	sdelay $0x3  }
0x99: {  	_ =	strace s6  }
0x9a: {  	_ =	strace $0x8FFFFFFF  }
0x9b: {  	s20 =	sld [smem:$0x3FDB];
	_ =	sdelay $0x1  }
0x9c: {  	s7 =	simm.s32 $_scs_section_size  }
0x9d: {  	s8 =	simm.s32 $_size__tile_overlayer_lowered;
	s9 =	simm.s32 $_tile_overlayer_lowered  }
0x9e: {  	s23 =	simm.s32 $0x1BFF;
	s22 =	sshll.u32 s9, $0x1;
	s6 =	sadd.s32 s7, s20  }
0x9f: {  	s10 =	simm.s32 $0x0;
	s21 =	sshll.u32 s8, $0x1;
	s8 =	sadd.s32 s22, s6  }
0xa0: {  	[timem:s10], [sflag:s23] =	dma.local [hbm:s8], s21  }
0xa1: {  	_ =	swait.ge [sflag:s23], s21  }
0xa2: {  	s7 =	ssub.s32 $0x0, s21;
	[sflag:s23] =	ssyncset.done $0x0  }
0xa3: {  	[sflag:s23] =	ssyncadd.s32 s7;
	_ =	sdelay $0x1  }
0xa4: {  	s24 =	simm.s32 $0x1B8B  }
0xa5: {  	_ =	swait.ge [sflag:s24], $0x1  }
0xa6: {  	[sflag:s24] =	ssyncset.done $0x0  }
0xa7: {  	s25 =	simm.s32 $0x1B8E;
	[sflag:s24] =	ssyncadd.s32 $0xFFFFFFFF  }
0xa8: {  	s26 =	simm.s32 $execute0_lowered;
	[smem:$0x3FD2] =	sst s25  }
0xa9: {  	s7 =	sshll.u32 s26, $0x1;
	_ =	strace $0x80000046;
	[dreg:$0x1] =	wrdreg $0xFFFFFFFF  }
0xaa: {  	s28 =	simm.s32 $_size_execute0_lowered;
	s6 =	sadd.s32 s6, s7;
	[dreg:$0x0] =	wrdreg $0x0  }
0xab: {  	s7 =	sshll.u32 s28, $0x1;
	[dreg:$0x2] =	wrdreg s6  }
0xac: {  	[dreg:$0x3] =	wrdreg s7  }
0xad: {  	[dreg:$0x4] =	wrdreg $0xC0  }
0xae: {  	_ =	task [dreg:s10], $0x5FFFF  }
0xaf: {  	[dreg:$0x1] =	wrdreg $0xFFFFFFFF  }
0xb0: {  	[dreg:$0x0] =	wrdreg $0x60  }
0xb1: {  	[dreg:$0x2] =	wrdreg s2  }
0xb2: {  	[dreg:$0x3] =	wrdreg s19  }
0xb3: {  	[dreg:$0x4] =	wrdreg s4  }
0xb4: {  	[dreg:$0x5] =	wrdreg s5  }
0xb5: {  	[dreg:$0x6] =	wrdreg $0x9  }
0xb6: {  	_ =	task.clear_ibuf [dreg:s10], $0x7FFFF;
	_ =	strace $0x90000046  }
0xb7: {  	s29 =	simm.s32 $0x9;
	_ =	strace $0x80000048  }
0xb8: {  	_ =	swait.ge [sflag:s29], $0x1  }
0xb9: {  	[sflag:s29] =	ssyncadd.s32 $0xFFFFFFFF  }
0xba: {  	_ =	strace $0x90000048  }
0xbb: {  	_ =	sfence  }
0xbc: {  	s30 =	sld [smem:$0x0];
	_ =	sdelay $0x2  }
0xbd: {  	s31 =	sshll.u32 s1, $0xD;
	s1 =	sshrl.u32 s1, $0x2  }
0xbe: {  	s3 =	sand.u32 $0x4000, s31;
	s1 =	sadd.s32 s1, s30  }
0xbf: {  	s0 =	sor.u32 s3, s0;
	s1 =	sshll.u32 s1, $0x11  }
0xc0: {  	s0 =	sor.u32 s1, s0  }
0xc1: {  	s0 =	sadd.s32 $0x8F2B, s0  }
0xc2: {  	[sflag:s0] =	ssyncadd.remote.s32 $0x1  }
0xc3: {  	_ =	sfence.sel $0xFFFF  }
0xc4: {  	[dreg:$0x0] =	wrdreg $0xFFFFFFFF;
	(pc) =	sbr.abs _section_cstart, $3  }
0xc5: {  	[dreg:$0x1] =	wrdreg $0xFFFFFFFF  }
0xc6: {  	_ =	task.clear_ibuf [dreg:s10], $0x2FFFF;
	_ =	strace $0x9FFFFFFF  }
0xc7: {  	(tm) =	ssettm $0x7FFFFFFF  }
tec
execute0_lowered:
.L_overlay_start_1:
0x0: {  	(tag) =	ssettag $0x1  }
0x1: {  	s4 =	rddreg [dreg:$0x0]  }
0x2: {  	s5 =	rddreg [dreg:$0x1]  }
0x3: {  	s1 =	rddreg [dreg:$0x2]  }
0x4: {  	s6 =	rddreg [dreg:$0x3]  }
0x5: {  	s0 =	rddreg [dreg:$0x4];
	s7 =	srdreg.scid  }
0x6: {  	s3 =	simm.s32 $0x0;
	s2 =	stileid.u32;
	s11 =	simm.s32 $0x400  }
0x7: {  	s12 =	simm.s32 $0x600;
	s13 =	simm.s32 $0x480;
	s14 =	simm.s32 $0x280  }
0x8: {  	s15 =	simm.s32 $0x680;
	s16 =	simm.s32 $0x100;
	s17 =	simm.s32 $0x500  }
0x9: {  	s18 =	simm.s32 $0x300;
	s19 =	simm.s32 $0x700;
	s20 =	simm.s32 $0x180  }
0xa: {  	s21 =	simm.s32 $0x580;
	s22 =	simm.s32 $0x380;
	s23 =	simm.s32 $0x780  }
0xb: {  	s24 =	simm.s32 $0x800;
	s25 =	simm.s32 $0x2;
	s7 =	sand.u32 $0x1, s7  }
0xc: {  	s9 =	sshll.u32 s2, $0x7;
	[smem:$0x7FF] =	sst s3;
	s8 =	ssub.s32 $0x2, s7  }
0xd: {  	s7 =	sshll.u32 s7, $0x6;
	_ =	strace $0x80000047;
	s10 =	sshrl.u32 s8, $0x1  }
0xe: {  	s7 =	sor.u32 s7, s9;
	s9 =	simm.s32 $0x1;
	s8 =	ssub.s32 s8, s10  }
0xf: {  	s4 =	sadd.s32 s4, s7;
	s5 =	sadd.s32 s5, s7;
	s6 =	sadd.s32 s6, s7  }
0x10: {  	s10 =	simm.s32 $0x80;
	s7 =	smax.u32 s8, $0x1;
	s8 =	simm.s32 $0x200  }
.LBB2_1:
0x11: {  	[tilespmem:s3], [sflag:$0x1] =	stream.linear.gather [hbm4b:s4+s3], $0x200, $0x38;
	[tilespmem:$0xA00] =	vst v63  }
0x12: {  	_ = 	snop  }
0x13: {  	[tilespmem:s8], [sflag:$0x1] =	stream.linear.gather [hbm4b:s5+s3], $0x200, $0x38;
	[tilespmem:$0xA00] =	vst v63  }
0x14: {  	_ =	swait.ge [sflag:s9], $0x200  }
0x15: {  	[sflag:s9] =	ssyncset.done $0x0  }
0x16: {  	[sflag:s9] =	ssyncadd.s32 $0xFFFFFE00  }
0x17: {  	_ =	swait.ge [sflag:s9], $0x200  }
0x18: {  	[sflag:s9] =	ssyncset.done $0x0  }
0x19: {  	[sflag:s9] =	ssyncadd.s32 $0xFFFFFE00  }
0x1a: {  	[tilespmem:s11], [sflag:$0x1] =	stream.indirect.gather [hbm4b:s1+s10], $0x1, s3, s10, $0xb8;
	[tilespmem:$0xA00] =	vst v63  }
0x1b: {  	_ = 	snop  }
0x1c: {  	[tilespmem:s12], [sflag:$0x1] =	stream.indirect.gather [hbm4b:s1+s10], $0x1, s8, s10, $0xb8;
	[tilespmem:$0xA00] =	vst v63  }
0x1d: {  	_ = 	snop  }
0x1e: {  	[tilespmem:s13], [sflag:$0x1] =	stream.indirect.gather [hbm4b:s1+s10], $0x1, s10, s10, $0xb8;
	[tilespmem:$0xA00] =	vst v63  }
0x1f: {  	_ = 	snop  }
0x20: {  	[tilespmem:s15], [sflag:$0x1] =	stream.indirect.gather [hbm4b:s1+s10], $0x1, s14, s10, $0xb8;
	[tilespmem:$0xA00] =	vst v63  }
0x21: {  	_ = 	snop  }
0x22: {  	[tilespmem:s17], [sflag:$0x1] =	stream.indirect.gather [hbm4b:s1+s10], $0x1, s16, s10, $0xb8;
	[tilespmem:$0xA00] =	vst v63  }
0x23: {  	_ = 	snop  }
0x24: {  	[tilespmem:s19], [sflag:$0x1] =	stream.indirect.gather [hbm4b:s1+s10], $0x1, s18, s10, $0xb8;
	[tilespmem:$0xA00] =	vst v63  }
0x25: {  	_ = 	snop  }
0x26: {  	[tilespmem:s21], [sflag:$0x1] =	stream.indirect.gather [hbm4b:s1+s10], $0x1, s20, s10, $0xb8;
	[tilespmem:$0xA00] =	vst v63  }
0x27: {  	_ = 	snop  }
0x28: {  	[tilespmem:s23], [sflag:$0x1] =	stream.indirect.gather [hbm4b:s1+s10], $0x1, s22, s10, $0xb8;
	[tilespmem:$0xA00] =	vst v63  }
0x29: {  	_ =	swait.ge [sflag:s9], $0x80  }
0x2a: {  	[sflag:s9] =	ssyncset.done $0x0  }
0x2b: {  	[sflag:s9] =	ssyncadd.s32 $0xFFFFFF80  }
0x2c: {  	_ =	swait.ge [sflag:s9], $0x80  }
0x2d: {  	[sflag:s9] =	ssyncset.done $0x0  }
0x2e: {  	[sflag:s9] =	ssyncadd.s32 $0xFFFFFF80  }
0x2f: {  	_ =	swait.ge [sflag:s9], $0x80  }
0x30: {  	[sflag:s9] =	ssyncset.done $0x0  }
0x31: {  	[sflag:s9] =	ssyncadd.s32 $0xFFFFFF80  }
0x32: {  	_ =	swait.ge [sflag:s9], $0x80  }
0x33: {  	[sflag:s9] =	ssyncset.done $0x0  }
0x34: {  	[sflag:s9] =	ssyncadd.s32 $0xFFFFFF80  }
0x35: {  	_ =	swait.ge [sflag:s9], $0x80  }
0x36: {  	[sflag:s9] =	ssyncset.done $0x0  }
0x37: {  	[sflag:s9] =	ssyncadd.s32 $0xFFFFFF80  }
0x38: {  	_ =	swait.ge [sflag:s9], $0x80  }
0x39: {  	[sflag:s9] =	ssyncset.done $0x0  }
0x3a: {  	[sflag:s9] =	ssyncadd.s32 $0xFFFFFF80  }
0x3b: {  	_ =	swait.ge [sflag:s9], $0x80  }
0x3c: {  	[sflag:s9] =	ssyncset.done $0x0  }
0x3d: {  	[sflag:s9] =	ssyncadd.s32 $0xFFFFFF80  }
0x3e: {  	_ =	swait.ge [sflag:s9], $0x80  }
0x3f: {  	[sflag:s9] =	ssyncset.done $0x0  }
0x40: {  	[sflag:s9] =	ssyncadd.s32 $0xFFFFFF80  }
0x41: {  	v0 =	vld [tilespmem:$0x400]  }
0x42: {  	v1 =	vld [tilespmem:$0x600]  }
0x43: {  	v2 =	vld [tilespmem:$0x410]  }
0x44: {  	v3 =	vld [tilespmem:$0x610]  }
0x45: {  	v4 =	vld [tilespmem:$0x420]  }
0x46: {  	v5 =	vld [tilespmem:$0x620]  }
0x47: {  	v6 =	vld [tilespmem:$0x430]  }
0x48: {  	v7 =	vld [tilespmem:$0x630]  }
0x49: {  	v8 =	vld [tilespmem:$0x440]  }
0x4a: {  	v9 =	vld [tilespmem:$0x640]  }
0x4b: {  	v10 =	vld [tilespmem:$0x450]  }
0x4c: {  	v11 =	vld [tilespmem:$0x650]  }
0x4d: {  	v12 =	vld [tilespmem:$0x460]  }
0x4e: {  	v13 =	vld [tilespmem:$0x660]  }
0x4f: {  	v14 =	vld [tilespmem:$0x470]  }
0x50: {  	v15 =	vld [tilespmem:$0x670]  }
0x51: {  	v16 =	vld [tilespmem:$0x480]  }
0x52: {  	v17 =	vld [tilespmem:$0x680]  }
0x53: {  	v18 =	vld [tilespmem:$0x490]  }
0x54: {  	v19 =	vld [tilespmem:$0x690]  }
0x55: {  	v20 =	vld [tilespmem:$0x4A0]  }
0x56: {  	v21 =	vld [tilespmem:$0x6A0]  }
0x57: {  	v22 =	vld [tilespmem:$0x4B0]  }
0x58: {  	v23 =	vld [tilespmem:$0x6B0]  }
0x59: {  	v24 =	vld [tilespmem:$0x4C0]  }
0x5a: {  	v25 =	vld [tilespmem:$0x6C0]  }
0x5b: {  	v26 =	vld [tilespmem:$0x4D0]  }
0x5c: {  	v27 =	vld [tilespmem:$0x6D0]  }
0x5d: {  	v28 =	vld [tilespmem:$0x4E0]  }
0x5e: {  	v29 =	vld [tilespmem:$0x6E0]  }
0x5f: {  	v30 =	vld [tilespmem:$0x4F0]  }
0x60: {  	v31 =	vld [tilespmem:$0x6F0]  }
0x61: {  	v32 =	vld [tilespmem:$0x500]  }
0x62: {  	v33 =	vld [tilespmem:$0x700]  }
0x63: {  	v34 =	vld [tilespmem:$0x510]  }
0x64: {  	v35 =	vld [tilespmem:$0x710]  }
0x65: {  	v36 =	vld [tilespmem:$0x520]  }
0x66: {  	v44 =	vld [tilespmem:$0x760];
	v0 =	vsub.f32 v0, v1  }
0x67: {  	v47 =	vld [tilespmem:$0x570];
	v2 =	vsub.f32 v2, v3  }
0x68: {  	v50 =	vld [tilespmem:$0x770];
	v4 =	vsub.f32 v4, v5;
	v0 =	vmul.f32 $5.756462920e-03, v0  }
0x69: {  	v53 =	vld [tilespmem:$0x580];
	v6 =	vsub.f32 v6, v7;
	v2 =	vmul.f32 $5.756462920e-03, v2  }
0x6a: {  	v56 =	vld [tilespmem:$0x780];
	v62 =	vsub.f32 v8, v9;
	v61 =	vmul.f32 $5.756462920e-03, v4;
	[tilespmem:$0x800] =	vst v0  }
0x6b: {  	v59 =	vld [tilespmem:$0x590];
	v37 =	vsub.f32 v10, v11;
	v63 =	vmul.f32 $5.756462920e-03, v6;
	[tilespmem:$0x810] =	vst v2  }
0x6c: {  	v1 =	vld [tilespmem:$0x720];
	v39 =	vsub.f32 v12, v13;
	v38 =	vmul.f32 $5.756462920e-03, v62;
	[tilespmem:$0x820] =	vst v61  }
0x6d: {  	v3 =	vld [tilespmem:$0x530];
	v41 =	vsub.f32 v14, v15;
	v40 =	vmul.f32 $5.756462920e-03, v37;
	[tilespmem:$0x830] =	vst v63  }
0x6e: {  	v5 =	vld [tilespmem:$0x730];
	v43 =	vsub.f32 v16, v17;
	v42 =	vmul.f32 $5.756462920e-03, v39;
	[tilespmem:$0x840] =	vst v38  }
0x6f: {  	v7 =	vld [tilespmem:$0x540];
	v46 =	vsub.f32 v18, v19;
	v45 =	vmul.f32 $5.756462920e-03, v41;
	[tilespmem:$0x850] =	vst v40  }
0x70: {  	v8 =	vld [tilespmem:$0x740];
	v49 =	vsub.f32 v20, v21;
	v48 =	vmul.f32 $5.756462920e-03, v43;
	[tilespmem:$0x860] =	vst v42  }
0x71: {  	v9 =	vld [tilespmem:$0x550];
	v52 =	vsub.f32 v22, v23;
	v51 =	vmul.f32 $5.756462920e-03, v46;
	[tilespmem:$0x870] =	vst v45  }
0x72: {  	v10 =	vld [tilespmem:$0x750];
	v55 =	vsub.f32 v24, v25;
	v54 =	vmul.f32 $5.756462920e-03, v49;
	[tilespmem:$0x880] =	vst v48  }
0x73: {  	v11 =	vld [tilespmem:$0x560];
	v58 =	vsub.f32 v26, v27;
	v27 =	vsub.f32 v32, v33;
	v57 =	vmul.f32 $5.756462920e-03, v52;
	[tilespmem:$0x890] =	vst v51  }
0x74: {  	v24 =	vsub.f32 v30, v31;
	v25 =	vld [tilespmem:$0x5A0];
	v30 =	vsub.f32 v34, v35;
	v60 =	vmul.f32 $5.756462920e-03, v55;
	[tilespmem:$0x8A0] =	vst v54  }
0x75: {  	v31 =	vld [tilespmem:$0x5B0];
	v32 =	vmul.f32 $5.756462920e-03, v27;
	[tilespmem:$0x8B0] =	vst v57  }
0x76: {  	v33 =	vld [tilespmem:$0x7B0];
	v34 =	vmul.f32 $5.756462920e-03, v30;
	[tilespmem:$0x8C0] =	vst v60  }
0x77: {  	v35 =	vld [tilespmem:$0x5C0];
	v46 =	vsub.f32 v47, v50;
	v63 =	vmul.f32 $5.756462920e-03, v58;
	[tilespmem:$0x900] =	vst v32  }
0x78: {  	v62 =	vld [tilespmem:$0x790];
	v49 =	vsub.f32 v53, v56;
	v61 =	vsub.f32 v28, v29;
	v29 =	vmul.f32 $5.756462920e-03, v24;
	[tilespmem:$0x910] =	vst v34  }
0x79: {  	v41 =	vld [tilespmem:$0x5D0];
	v51 =	vmul.f32 $5.756462920e-03, v46;
	[tilespmem:$0x8D0] =	vst v63  }
0x7a: {  	v47 =	vld [tilespmem:$0x5E0];
	v54 =	vmul.f32 $5.756462920e-03, v49;
	v1 =	vsub.f32 v36, v1;
	[tilespmem:$0x8F0] =	vst v29  }
0x7b: {  	v50 =	vld [tilespmem:$0x7E0];
	v3 =	vsub.f32 v3, v5;
	v26 =	vmul.f32 $5.756462920e-03, v61;
	[tilespmem:$0x970] =	vst v51  }
0x7c: {  	v53 =	vld [tilespmem:$0x5F0];
	v37 =	vsub.f32 v7, v8;
	[tilespmem:$0x980] =	vst v54;
	v36 =	vmul.f32 $5.756462920e-03, v1  }
0x7d: {  	v56 =	vld [tilespmem:$0x7F0];
	v40 =	vsub.f32 v9, v10;
	v39 =	vmul.f32 $5.756462920e-03, v3;
	[tilespmem:$0x8E0] =	vst v26  }
0x7e: {  	v28 =	vld [tilespmem:$0x7A0];
	v43 =	vsub.f32 v11, v44;
	v42 =	vmul.f32 $5.756462920e-03, v37;
	[tilespmem:$0x920] =	vst v36  }
0x7f: {  	v38 =	vld [tilespmem:$0x7C0];
	v57 =	vsub.f32 v31, v33;
	v45 =	vmul.f32 $5.756462920e-03, v40;
	[tilespmem:$0x930] =	vst v39  }
0x80: {  	v44 =	vld [tilespmem:$0x7D0];
	v48 =	vmul.f32 $5.756462920e-03, v43;
	v52 =	vsub.f32 v59, v62;
	[tilespmem:$0x940] =	vst v42  }
0x81: {  	v2 =	vmul.f32 $5.756462920e-03, v57;
	v60 =	vsub.f32 v47, v50;
	[tilespmem:$0x950] =	vst v45  }
0x82: {  	v61 =	vsub.f32 v53, v56;
	[tilespmem:$0x960] =	vst v48;
	v3 =	vmul.f32 $5.756462920e-03, v52  }
0x83: {  	v55 =	vsub.f32 v25, v28;
	[tilespmem:$0x9B0] =	vst v2;
	v62 =	vmul.f32 $5.756462920e-03, v60  }
0x84: {  	v58 =	vsub.f32 v35, v38;
	v63 =	vmul.f32 $5.756462920e-03, v61;
	[tilespmem:$0x990] =	vst v3  }
0x85: {  	v59 =	vsub.f32 v41, v44;
	v1 =	vmul.f32 $5.756462920e-03, v55;
	[tilespmem:$0x9E0] =	vst v62  }
0x86: {  	v0 =	vmul.f32 $5.756462920e-03, v58;
	[tilespmem:$0x9F0] =	vst v63  }
0x87: {  	v3 =	vmul.f32 $5.756462920e-03, v59;
	[tilespmem:$0x9A0] =	vst v1  }
0x88: {  	p0 =	sne.s32 s7, $0x1;
	[tilespmem:$0x9C0] =	vst v0  }
.Ltmp0:
0x89: {  	[tilespmem:$0x9D0] =	vst v3;
	(pc) =	sbr.rel @p0 .LBB2_1-.Ltmp0, $4  }
0x8a: {  	[hbm4b:s6+s3] =	stream.linear.scatter [tilespmem:s24], [sflag:$0x2], $0x200, $0x38;
	[tilespmem:$0xA00] =	vst v63  }
0x8b: {  	_ =	swait.ge [sflag:s25], $0x200  }
0x8c: {  	[sflag:s25] =	ssyncset.done $0x0  }
0x8d: {  	s7 =	sadd.s32 $0xFFFFFFFF, s7;
	[sflag:s25] =	ssyncadd.s32 $0xFFFFFE00  }
0x8e: {  	_ =	sfence.sel $0x180000  }
0x8f: {  	[bflag:$0x0] =	sbarrier.arrive $0xFFFF  }
0x90: {  	p0 =	sne.s32 s2, $0x0;
	_ =	strace $0x90000047  }
0x91: {  	s0 =	sadd.s32 @!p0 $0x100000, s0;
	[bflag:$0x2] =	sbarrier.arrive $0xFFFF  }
0x92: {  	[sflag:s0] =	ssyncadd.tile.s32 @!p0 $0x1;
	_ =	shalt  }
.Lfunc_end2:
_tile_overlayer_lowered:
.L_overlay_start_2:
0x93: {  	(tag) =	ssettag $0x2  }
0x94: {  	s0 =	rddreg [dreg:$0x0];
	s2 =	stileid.u32  }
0x95: {  	s1 =	rddreg [dreg:$0x1];
	p0 =	sne.s32 s2, $0x0  }
0x96: {  	s3 =	rddreg [dreg:$0x2];
	[bflag:$0x3] =	sbarrier.arrive $0xFFFF;
	s2 =	simm.s32 @!p0 $0x1C02  }
0x97: {  	[timem:s3], [sflag:s2] =	dma.local @!p0 [hbm:s0], s1  }
0x98: {  	s0 =	simm.s32 @!p0 $0x2  }
0x99: {  	_ =	swait.ge @!p0 [sflag:s0], s1  }
0x9a: {  	s1 =	ssub.s32 @!p0 $0x0, s1;
	[sflag:s0] =	ssyncset.done @!p0 $0x0  }
0x9b: {  	[sflag:s0] =	ssyncadd.s32 @!p0 s1  }
0x9c: {  	[bflag:$0x3] =	sbarrier.arrive $0xFFFF  }
0x9d: {  	_ =	shalt  }

</sc_bundles>
